<compile_context>
chip_gen: v7x
topology: tpu7x:2x2x1
jax: 0.10.2.dev20260603
libtpu: 0.0.44.dev20260713+nightly
codegen_flags: <defaults>
</compile_context>

<pallas_src>
import jax
import jax.numpy as jnp
from jax.experimental import pallas as pl

J = 64
BN = 32


def _gelu_exact(v):
    return 0.5 * v * (1.0 + jax.lax.erf(v * 0.7071067811865476))


def _build_m_kernel(src_ref, dst_ref, et_ref, m2_ref):
    e = src_ref.shape[0]
    k = jax.lax.broadcasted_iota(jnp.int32, (e, J), 1)
    s = (src_ref[...] == k).astype(jnp.float32)
    d = (dst_ref[...] == k).astype(jnp.float32)
    m1 = (et_ref[...] == 1).astype(jnp.float32)
    r = s - d
    rcat = jnp.concatenate([r * (1.0 - m1), r * m1], axis=1)
    m2_ref[...] = jax.lax.dot_general(
        d, rcat, (((0,), (0,)), ((), ())), preferred_element_type=jnp.float32)


def _main_kernel(x_ref, w0t_ref, w1t_ref, m2_ref, pose_ref, s_ref, b_ref,
                 o_ref):
    c = x_ref.shape[-1]
    n_j = o_ref.shape[1]
    xf = x_ref[...]
    u0 = jnp.dot(xf, w0t_ref[...], preferred_element_type=jnp.float32)
    u1 = jnp.dot(xf, w1t_ref[...], preferred_element_type=jnp.float32)
    m2 = m2_ref[...]
    m0 = m2[:, :J]
    m1 = m2[:, J:]
    ys = []
    for i in range(BN):
        sl = slice(i * J, (i + 1) * J)
        ys.append(jnp.dot(m0, u0[sl], preferred_element_type=jnp.float32)
                  + jnp.dot(m1, u1[sl], preferred_element_type=jnp.float32))
    agg = jnp.concatenate(ys, axis=0).reshape(BN, J, c)
    agg = agg + pose_ref[...][None]
    h = xf.reshape(BN, J, c) + _gelu_exact(agg)
    mean = jnp.mean(h, axis=-1, keepdims=True)
    var = jnp.mean((h - mean) ** 2, axis=-1, keepdims=True)
    out = (h - mean) / jnp.sqrt(var + 1e-5)
    out = out * s_ref[...].reshape(1, 1, c) + b_ref[...].reshape(1, 1, c)
    o_ref[...] = out[:, :n_j, :]


def kernel(x, edge_index, edge_type, W0, W1, pose_table, ln_scale, ln_bias):
    n_b, n_j, c = x.shape
    e = edge_index.shape[1]
    src = edge_index[0].reshape(e, 1)
    dst = edge_index[1].reshape(e, 1)
    et = edge_type.reshape(e, 1)
    m2 = pl.pallas_call(
        _build_m_kernel,
        out_shape=jax.ShapeDtypeStruct((J, 2 * J), jnp.float32),
    )(src, dst, et)
    xp = jnp.pad(x, ((0, 0), (0, J - n_j), (0, 0))).reshape(n_b * J, c)
    posep = jnp.pad(pose_table, ((0, J - n_j), (0, 0)))
    out = pl.pallas_call(
        _main_kernel,
        grid=(n_b // BN,),
        in_specs=[
            pl.BlockSpec((BN * J, c), lambda i: (i, 0)),
            pl.BlockSpec((c, c), lambda i: (0, 0)),
            pl.BlockSpec((c, c), lambda i: (0, 0)),
            pl.BlockSpec((J, 2 * J), lambda i: (0, 0)),
            pl.BlockSpec((J, c), lambda i: (0, 0)),
            pl.BlockSpec((1, c), lambda i: (0, 0)),
            pl.BlockSpec((1, c), lambda i: (0, 0)),
        ],
        out_specs=pl.BlockSpec((BN, n_j, c), lambda i: (i, 0, 0)),
        out_shape=jax.ShapeDtypeStruct((n_b, n_j, c), jnp.float32),
    )(xp, W0.T, W1.T, m2, posep, ln_scale.reshape(1, c),
      ln_bias.reshape(1, c))
    return out

# --- scband reference (transcript-rebuilt; emitter-appended) ---
"""Pipeline reference for scband-kinematic-gnnlayer-20495583936578 (READ-ONLY COPY).

The authoritative reference and input builder live on the scoring server;
editing this copy changes nothing except your own understanding.
"""

import jax, jax.numpy as jnp
import numpy as np

N_BATCH, N_JOINTS, C, E = 4096, 55, 128, 108

def setup_inputs(seed: int = 0) -> dict:
    key = jax.random.key(seed)
    ks = jax.random.split(key, 8)
    x = jax.random.normal(ks[0], (N_BATCH, N_JOINTS, C), dtype=jnp.float32)
    edge_index = jax.random.randint(ks[1], (2, E), 0, N_JOINTS, dtype=jnp.int32)
    edge_type = jax.random.randint(ks[2], (E,), 0, 2, dtype=jnp.int32)
    bound = 1.0 / np.sqrt(C)
    W0 = jax.random.uniform(ks[3], (C, C), minval=-bound, maxval=bound, dtype=jnp.float32)
    W1 = jax.random.uniform(ks[4], (C, C), minval=-bound, maxval=bound, dtype=jnp.float32)
    pose_table = jax.random.normal(ks[5], (N_JOINTS, C), dtype=jnp.float32)
    ln_scale = jnp.ones((C,), dtype=jnp.float32)
    ln_bias = jnp.zeros((C,), dtype=jnp.float32)
    return {"x": x, "edge_index": edge_index, "edge_type": edge_type, "W0": W0, "W1": W1, "pose_table": pose_table, "ln_scale": ln_scale, "ln_bias": ln_bias}

def reference(x, edge_index, edge_type, W0, W1, pose_table, ln_scale, ln_bias):
    n_batch, n_joints, c = x.shape
    src = edge_index[0]
    dst = edge_index[1]
    # gather per-edge source/dest features along joint axis
    f_src = jnp.take(x, src, axis=1)          # (N_batch, E, C)
    f_dst = jnp.take(x, dst, axis=1)          # (N_batch, E, C)
    diff = f_src - f_dst
    # anisotropic message: two edge-type-specific linear maps (no bias)
    msg0 = diff @ W0.T
    msg1 = diff @ W1.T
    msg = jnp.where((edge_type == 1)[None, :, None], msg1, msg0)
    # scatter-add messages into destination joints (index_add_ over dim 1)
    agg = jax.ops.segment_sum(jnp.transpose(msg, (1, 0, 2)), dst, num_segments=n_joints)
    agg = jnp.transpose(agg, (1, 0, 2))       # (N_batch, N_joints, C)
    joint_ids = jnp.arange(n_joints)
    pose = jnp.take(pose_table, joint_ids, axis=0)
    agg = agg + pose[None, :, :]
    h = x + jax.nn.gelu(agg, approximate=False)
    mean = jnp.mean(h, axis=-1, keepdims=True)
    var = jnp.mean((h - mean) ** 2, axis=-1, keepdims=True)
    out = (h - mean) / jnp.sqrt(var + 1e-5) * ln_scale + ln_bias
    return out

if __name__ == "__main__":
    import jax
    _d = setup_inputs()
    print(jax.jit(kernel)(*tuple(_d.values())))

</pallas_src>

<mosaic_0001>
module attributes {stable_mosaic.version = 14 : i64} {
  func.func @_build_m_kernel(%arg0: memref<108x1xi32, #tpu.memory_space<vmem>>, %arg1: memref<108x1xi32, #tpu.memory_space<vmem>>, %arg2: memref<108x1xi32, #tpu.memory_space<vmem>>, %arg3: memref<64x128xf32, #tpu.memory_space<vmem>>) attributes {dimension_semantics = [], scalar_prefetch = 0 : i64, scratch_operands = 0 : i64, tpu.core_type = #tpu.core_type<tc>} {
    %iota3A = tpu.iota {dimensions = array<i32: 1>} : vector<108x64xi32>
    %get3A = arith.constant 0 : index
    %get3A_0 = arith.constant 0 : index
    %get3A_1 = vector.load %arg0[%get3A, %get3A_0] : memref<108x1xi32, #tpu.memory_space<vmem>>, vector<108x1xi32>
    %eq3A = vector.broadcast %get3A_1 : vector<108x1xi32> to vector<108x64xi32>
    %eq3A_2 = arith.cmpi eq, %eq3A, %iota3A : vector<108x64xi32>
    %convert_element_type3A = arith.extui %eq3A_2 : vector<108x64xi1> to vector<108x64xi32>
    %convert_element_type3A_3 = arith.sitofp %convert_element_type3A : vector<108x64xi32> to vector<108x64xf32>
    %get3A_4 = arith.constant 0 : index
    %get3A_5 = arith.constant 0 : index
    %get3A_6 = vector.load %arg1[%get3A_4, %get3A_5] : memref<108x1xi32, #tpu.memory_space<vmem>>, vector<108x1xi32>
    %eq3A_7 = vector.broadcast %get3A_6 : vector<108x1xi32> to vector<108x64xi32>
    %eq3A_8 = arith.cmpi eq, %eq3A_7, %iota3A : vector<108x64xi32>
    %convert_element_type3A_9 = arith.extui %eq3A_8 : vector<108x64xi1> to vector<108x64xi32>
    %convert_element_type3A_10 = arith.sitofp %convert_element_type3A_9 : vector<108x64xi32> to vector<108x64xf32>
    %get3A_11 = arith.constant 0 : index
    %get3A_12 = arith.constant 0 : index
    %get3A_13 = vector.load %arg2[%get3A_11, %get3A_12] : memref<108x1xi32, #tpu.memory_space<vmem>>, vector<108x1xi32>
    %eq3A_14 = arith.constant 1 : i32
    %eq3A_15 = vector.broadcast %eq3A_14 : i32 to vector<108x1xi32>
    %eq3A_16 = arith.cmpi eq, %get3A_13, %eq3A_15 : vector<108x1xi32>
    %convert_element_type3A_17 = arith.extui %eq3A_16 : vector<108x1xi1> to vector<108x1xi32>
    %convert_element_type3A_18 = arith.sitofp %convert_element_type3A_17 : vector<108x1xi32> to vector<108x1xf32>
    %sub3A = arith.subf %convert_element_type3A_3, %convert_element_type3A_10 : vector<108x64xf32>
    %sub3A_19 = arith.constant 1.000000e+00 : f32
    %sub3A_20 = vector.broadcast %sub3A_19 : f32 to vector<108x1xf32>
    %sub3A_21 = arith.subf %sub3A_20, %convert_element_type3A_18 : vector<108x1xf32>
    %mul3A = vector.broadcast %sub3A_21 : vector<108x1xf32> to vector<108x64xf32>
    %mul3A_22 = arith.mulf %sub3A, %mul3A : vector<108x64xf32>
    %mul3A_23 = vector.broadcast %convert_element_type3A_18 : vector<108x1xf32> to vector<108x64xf32>
    %mul3A_24 = arith.mulf %sub3A, %mul3A_23 : vector<108x64xf32>
    %concatenate3A = tpu.concatenate %mul3A_22, %mul3A_24 in 1 : vector<108x64xf32>, vector<108x64xf32> -> vector<108x128xf32>
    %dot_general3A = arith.constant dense<0.000000e+00> : vector<64x128xf32>
    %dot_general3A_25 = tpu.matmul %convert_element_type3A_10, %concatenate3A, %dot_general3A {dimension_numbers = #tpu.dot_dimension_numbers<[0], [0], [1], [1], [0, 1, 1, 1], [], []>, transpose_lhs_hint = false} : vector<108x64xf32>, vector<108x128xf32>, vector<64x128xf32> -> vector<64x128xf32>
    %swap3A = arith.constant 0 : index
    %swap3A_26 = arith.constant 0 : index
    %swap3A_27 = vector.load %arg3[%swap3A, %swap3A_26] : memref<64x128xf32, #tpu.memory_space<vmem>>, vector<64x128xf32>
    tpu.vector_store %arg3[%swap3A, %swap3A_26], %dot_general3A_25 {strides = array<i32>} : memref<64x128xf32, #tpu.memory_space<vmem>>, vector<64x128xf32>,
    return
  }
}

module attributes {stable_mosaic.version = 14 : i64} {
  func.func @_main_kernel(%arg0: i32, %arg1: memref<2048x128xf32, #tpu.memory_space<vmem>>, %arg2: memref<128x128xf32, #tpu.memory_space<vmem>>, %arg3: memref<128x128xf32, #tpu.memory_space<vmem>>, %arg4: memref<64x128xf32, #tpu.memory_space<vmem>>, %arg5: memref<64x128xf32, #tpu.memory_space<vmem>>, %arg6: memref<1x128xf32, #tpu.memory_space<vmem>>, %arg7: memref<1x128xf32, #tpu.memory_space<vmem>>, %arg8: memref<32x55x128xf32, #tpu.memory_space<vmem>>) attributes {dimension_semantics = [#tpu.dimension_semantics<arbitrary>], iteration_bounds = array<i64: 128>, scalar_prefetch = 0 : i64, scratch_operands = 0 : i64, tpu.core_type = #tpu.core_type<tc>, window_params = [{transform_indices = @transform_0, window_bounds = array<i64: 2048, 128>}, {pipeline_mode = #tpu.pipeline_mode<synchronous>, transform_indices = @transform_1, window_bounds = array<i64: 128, 128>}, {pipeline_mode = #tpu.pipeline_mode<synchronous>, transform_indices = @transform_2, window_bounds = array<i64: 128, 128>}, {pipeline_mode = #tpu.pipeline_mode<synchronous>, transform_indices = @transform_3, window_bounds = array<i64: 64, 128>}, {pipeline_mode = #tpu.pipeline_mode<synchronous>, transform_indices = @transform_4, window_bounds = array<i64: 64, 128>}, {pipeline_mode = #tpu.pipeline_mode<synchronous>, transform_indices = @transform_5, window_bounds = array<i64: 1, 128>}, {pipeline_mode = #tpu.pipeline_mode<synchronous>, transform_indices = @transform_6, window_bounds = array<i64: 1, 128>}, {transform_indices = @transform_7, window_bounds = array<i64: 32, 55, 128>}]} {
    %get3A = arith.constant 0 : index
    %get3A_0 = arith.constant 0 : index
    %get3A_1 = vector.load %arg1[%get3A, %get3A_0] : memref<2048x128xf32, #tpu.memory_space<vmem>>, vector<2048x128xf32>
    %get3A_2 = arith.constant 0 : index
    %get3A_3 = arith.constant 0 : index
    %get3A_4 = vector.load %arg2[%get3A_2, %get3A_3] : memref<128x128xf32, #tpu.memory_space<vmem>>, vector<128x128xf32>
    %dot_general3A = arith.constant dense<0.000000e+00> : vector<2048x128xf32>
    %dot_general3A_5 = tpu.matmul %get3A_1, %get3A_4, %dot_general3A {dimension_numbers = #tpu.dot_dimension_numbers<[1], [0], [0], [1], [0, 0, 1, 1], [], []>, transpose_lhs_hint = false} : vector<2048x128xf32>, vector<128x128xf32>, vector<2048x128xf32> -> vector<2048x128xf32>
    %get3A_6 = arith.constant 0 : index
    %get3A_7 = arith.constant 0 : index
    %get3A_8 = vector.load %arg3[%get3A_6, %get3A_7] : memref<128x128xf32, #tpu.memory_space<vmem>>, vector<128x128xf32>
    %dot_general3A_9 = arith.constant dense<0.000000e+00> : vector<2048x128xf32>
    %dot_general3A_10 = tpu.matmul %get3A_1, %get3A_8, %dot_general3A_9 {dimension_numbers = #tpu.dot_dimension_numbers<[1], [0], [0], [1], [0, 0, 1, 1], [], []>, transpose_lhs_hint = false} : vector<2048x128xf32>, vector<128x128xf32>, vector<2048x128xf32> -> vector<2048x128xf32>
    %get3A_11 = arith.constant 0 : index
    %get3A_12 = arith.constant 0 : index
    %get3A_13 = vector.load %arg4[%get3A_11, %get3A_12] : memref<64x128xf32, #tpu.memory_space<vmem>>, vector<64x128xf32>
    %slice3A = vector.extract_strided_slice %get3A_13 {offsets = [0, 0], sizes = [64, 64], strides = [1, 1]} : vector<64x128xf32> to vector<64x64xf32>
    %slice3A_14 = vector.extract_strided_slice %get3A_13 {offsets = [0, 64], sizes = [64, 64], strides = [1, 1]} : vector<64x128xf32> to vector<64x64xf32>
    %slice3A_15 = vector.extract_strided_slice %dot_general3A_5 {offsets = [0, 0], sizes = [64, 128], strides = [1, 1]} : vector<2048x128xf32> to vector<64x128xf32>
    %dot_general3A_16 = arith.constant dense<0.000000e+00> : vector<64x128xf32>
    %dot_general3A_17 = tpu.matmul %slice3A, %slice3A_15, %dot_general3A_16 {dimension_numbers = #tpu.dot_dimension_numbers<[1], [0], [0], [1], [0, 0, 1, 1], [], []>, transpose_lhs_hint = false} : vector<64x64xf32>, vector<64x128xf32>, vector<64x128xf32> -> vector<64x128xf32>
    %slice3A_18 = vector.extract_strided_slice %dot_general3A_10 {offsets = [0, 0], sizes = [64, 128], strides = [1, 1]} : vector<2048x128xf32> to vector<64x128xf32>
    %dot_general3A_19 = arith.constant dense<0.000000e+00> : vector<64x128xf32>
    %dot_general3A_20 = tpu.matmul %slice3A_14, %slice3A_18, %dot_general3A_19 {dimension_numbers = #tpu.dot_dimension_numbers<[1], [0], [0], [1], [0, 0, 1, 1], [], []>, transpose_lhs_hint = false} : vector<64x64xf32>, vector<64x128xf32>, vector<64x128xf32> -> vector<64x128xf32>
    %add3A = arith.addf %dot_general3A_17, %dot_general3A_20 : vector<64x128xf32>
    %slice3A_21 = vector.extract_strided_slice %dot_general3A_5 {offsets = [64, 0], sizes = [64, 128], strides = [1, 1]} : vector<2048x128xf32> to vector<64x128xf32>
    %dot_general3A_22 = arith.constant dense<0.000000e+00> : vector<64x128xf32>
    %dot_general3A_23 = tpu.matmul %slice3A, %slice3A_21, %dot_general3A_22 {dimension_numbers = #tpu.dot_dimension_numbers<[1], [0], [0], [1], [0, 0, 1, 1], [], []>, transpose_lhs_hint = false} : vector<64x64xf32>, vector<64x128xf32>, vector<64x128xf32> -> vector<64x128xf32>
    %slice3A_24 = vector.extract_strided_slice %dot_general3A_10 {offsets = [64, 0], sizes = [64, 128], strides = [1, 1]} : vector<2048x128xf32> to vector<64x128xf32>
    %dot_general3A_25 = arith.constant dense<0.000000e+00> : vector<64x128xf32>
    %dot_general3A_26 = tpu.matmul %slice3A_14, %slice3A_24, %dot_general3A_25 {dimension_numbers = #tpu.dot_dimension_numbers<[1], [0], [0], [1], [0, 0, 1, 1], [], []>, transpose_lhs_hint = false} : vector<64x64xf32>, vector<64x128xf32>, vector<64x128xf32> -> vector<64x128xf32>
    %add3A_27 = arith.addf %dot_general3A_23, %dot_general3A_26 : vector<64x128xf32>
    %slice3A_28 = vector.extract_strided_slice %dot_general3A_5 {offsets = [128, 0], sizes = [64, 128], strides = [1, 1]} : vector<2048x128xf32> to vector<64x128xf32>
    %dot_general3A_29 = arith.constant dense<0.000000e+00> : vector<64x128xf32>
    %dot_general3A_30 = tpu.matmul %slice3A, %slice3A_28, %dot_general3A_29 {dimension_numbers = #tpu.dot_dimension_numbers<[1], [0], [0], [1], [0, 0, 1, 1], [], []>, transpose_lhs_hint = false} : vector<64x64xf32>, vector<64x128xf32>, vector<64x128xf32> -> vector<64x128xf32>
    %slice3A_31 = vector.extract_strided_slice %dot_general3A_10 {offsets = [128, 0], sizes = [64, 128], strides = [1, 1]} : vector<2048x128xf32> to vector<64x128xf32>
    %dot_general3A_32 = arith.constant dense<0.000000e+00> : vector<64x128xf32>
    %dot_general3A_33 = tpu.matmul %slice3A_14, %slice3A_31, %dot_general3A_32 {dimension_numbers = #tpu.dot_dimension_numbers<[1], [0], [0], [1], [0, 0, 1, 1], [], []>, transpose_lhs_hint = false} : vector<64x64xf32>, vector<64x128xf32>, vector<64x128xf32> -> vector<64x128xf32>
    %add3A_34 = arith.addf %dot_general3A_30, %dot_general3A_33 : vector<64x128xf32>
    %slice3A_35 = vector.extract_strided_slice %dot_general3A_5 {offsets = [192, 0], sizes = [64, 128], strides = [1, 1]} : vector<2048x128xf32> to vector<64x128xf32>
    %dot_general3A_36 = arith.constant dense<0.000000e+00> : vector<64x128xf32>
    %dot_general3A_37 = tpu.matmul %slice3A, %slice3A_35, %dot_general3A_36 {dimension_numbers = #tpu.dot_dimension_numbers<[1], [0], [0], [1], [0, 0, 1, 1], [], []>, transpose_lhs_hint = false} : vector<64x64xf32>, vector<64x128xf32>, vector<64x128xf32> -> vector<64x128xf32>
    %slice3A_38 = vector.extract_strided_slice %dot_general3A_10 {offsets = [192, 0], sizes = [64, 128], strides = [1, 1]} : vector<2048x128xf32> to vector<64x128xf32>
    %dot_general3A_39 = arith.constant dense<0.000000e+00> : vector<64x128xf32>
    %dot_general3A_40 = tpu.matmul %slice3A_14, %slice3A_38, %dot_general3A_39 {dimension_numbers = #tpu.dot_dimension_numbers<[1], [0], [0], [1], [0, 0, 1, 1], [], []>, transpose_lhs_hint = false} : vector<64x64xf32>, vector<64x128xf32>, vector<64x128xf32> -> vector<64x128xf32>
    %add3A_41 = arith.addf %dot_general3A_37, %dot_general3A_40 : vector<64x128xf32>
    %slice3A_42 = vector.extract_strided_slice %dot_general3A_5 {offsets = [256, 0], sizes = [64, 128], strides = [1, 1]} : vector<2048x128xf32> to vector<64x128xf32>
    %dot_general3A_43 = arith.constant dense<0.000000e+00> : vector<64x128xf32>
    %dot_general3A_44 = tpu.matmul %slice3A, %slice3A_42, %dot_general3A_43 {dimension_numbers = #tpu.dot_dimension_numbers<[1], [0], [0], [1], [0, 0, 1, 1], [], []>, transpose_lhs_hint = false} : vector<64x64xf32>, vector<64x128xf32>, vector<64x128xf32> -> vector<64x128xf32>
    %slice3A_45 = vector.extract_strided_slice %dot_general3A_10 {offsets = [256, 0], sizes = [64, 128], strides = [1, 1]} : vector<2048x128xf32> to vector<64x128xf32>
    %dot_general3A_46 = arith.constant dense<0.000000e+00> : vector<64x128xf32>
    %dot_general3A_47 = tpu.matmul %slice3A_14, %slice3A_45, %dot_general3A_46 {dimension_numbers = #tpu.dot_dimension_numbers<[1], [0], [0], [1], [0, 0, 1, 1], [], []>, transpose_lhs_hint = false} : vector<64x64xf32>, vector<64x128xf32>, vector<64x128xf32> -> vector<64x128xf32>
    %add3A_48 = arith.addf %dot_general3A_44, %dot_general3A_47 : vector<64x128xf32>
    %slice3A_49 = vector.extract_strided_slice %dot_general3A_5 {offsets = [320, 0], sizes = [64, 128], strides = [1, 1]} : vector<2048x128xf32> to vector<64x128xf32>
    %dot_general3A_50 = arith.constant dense<0.000000e+00> : vector<64x128xf32>
    %dot_general3A_51 = tpu.matmul %slice3A, %slice3A_49, %dot_general3A_50 {dimension_numbers = #tpu.dot_dimension_numbers<[1], [0], [0], [1], [0, 0, 1, 1], [], []>, transpose_lhs_hint = false} : vector<64x64xf32>, vector<64x128xf32>, vector<64x128xf32> -> vector<64x128xf32>
    %slice3A_52 = vector.extract_strided_slice %dot_general3A_10 {offsets = [320, 0], sizes = [64, 128], strides = [1, 1]} : vector<2048x128xf32> to vector<64x128xf32>
    %dot_general3A_53 = arith.constant dense<0.000000e+00> : vector<64x128xf32>
    %dot_general3A_54 = tpu.matmul %slice3A_14, %slice3A_52, %dot_general3A_53 {dimension_numbers = #tpu.dot_dimension_numbers<[1], [0], [0], [1], [0, 0, 1, 1], [], []>, transpose_lhs_hint = false} : vector<64x64xf32>, vector<64x128xf32>, vector<64x128xf32> -> vector<64x128xf32>
    %add3A_55 = arith.addf %dot_general3A_51, %dot_general3A_54 : vector<64x128xf32>
    %slice3A_56 = vector.extract_strided_slice %dot_general3A_5 {offsets = [384, 0], sizes = [64, 128], strides = [1, 1]} : vector<2048x128xf32> to vector<64x128xf32>
    %dot_general3A_57 = arith.constant dense<0.000000e+00> : vector<64x128xf32>
    %dot_general3A_58 = tpu.matmul %slice3A, %slice3A_56, %dot_general3A_57 {dimension_numbers = #tpu.dot_dimension_numbers<[1], [0], [0], [1], [0, 0, 1, 1], [], []>, transpose_lhs_hint = false} : vector<64x64xf32>, vector<64x128xf32>, vector<64x128xf32> -> vector<64x128xf32>
    %slice3A_59 = vector.extract_strided_slice %dot_general3A_10 {offsets = [384, 0], sizes = [64, 128], strides = [1, 1]} : vector<2048x128xf32> to vector<64x128xf32>
    %dot_general3A_60 = arith.constant dense<0.000000e+00> : vector<64x128xf32>
    %dot_general3A_61 = tpu.matmul %slice3A_14, %slice3A_59, %dot_general3A_60 {dimension_numbers = #tpu.dot_dimension_numbers<[1], [0], [0], [1], [0, 0, 1, 1], [], []>, transpose_lhs_hint = false} : vector<64x64xf32>, vector<64x128xf32>, vector<64x128xf32> -> vector<64x128xf32>
    %add3A_62 = arith.addf %dot_general3A_58, %dot_general3A_61 : vector<64x128xf32>
    %slice3A_63 = vector.extract_strided_slice %dot_general3A_5 {offsets = [448, 0], sizes = [64, 128], strides = [1, 1]} : vector<2048x128xf32> to vector<64x128xf32>
    %dot_general3A_64 = arith.constant dense<0.000000e+00> : vector<64x128xf32>
    %dot_general3A_65 = tpu.matmul %slice3A, %slice3A_63, %dot_general3A_64 {dimension_numbers = #tpu.dot_dimension_numbers<[1], [0], [0], [1], [0, 0, 1, 1], [], []>, transpose_lhs_hint = false} : vector<64x64xf32>, vector<64x128xf32>, vector<64x128xf32> -> vector<64x128xf32>
    %slice3A_66 = vector.extract_strided_slice %dot_general3A_10 {offsets = [448, 0], sizes = [64, 128], strides = [1, 1]} : vector<2048x128xf32> to vector<64x128xf32>
    %dot_general3A_67 = arith.constant dense<0.000000e+00> : vector<64x128xf32>
    %dot_general3A_68 = tpu.matmul %slice3A_14, %slice3A_66, %dot_general3A_67 {dimension_numbers = #tpu.dot_dimension_numbers<[1], [0], [0], [1], [0, 0, 1, 1], [], []>, transpose_lhs_hint = false} : vector<64x64xf32>, vector<64x128xf32>, vector<64x128xf32> -> vector<64x128xf32>
    %add3A_69 = arith.addf %dot_general3A_65, %dot_general3A_68 : vector<64x128xf32>
    %slice3A_70 = vector.extract_strided_slice %dot_general3A_5 {offsets = [512, 0], sizes = [64, 128], strides = [1, 1]} : vector<2048x128xf32> to vector<64x128xf32>
    %dot_general3A_71 = arith.constant dense<0.000000e+00> : vector<64x128xf32>
    %dot_general3A_72 = tpu.matmul %slice3A, %slice3A_70, %dot_general3A_71 {dimension_numbers = #tpu.dot_dimension_numbers<[1], [0], [0], [1], [0, 0, 1, 1], [], []>, transpose_lhs_hint = false} : vector<64x64xf32>, vector<64x128xf32>, vector<64x128xf32> -> vector<64x128xf32>
    %slice3A_73 = vector.extract_strided_slice %dot_general3A_10 {offsets = [512, 0], sizes = [64, 128], strides = [1, 1]} : vector<2048x128xf32> to vector<64x128xf32>
    %dot_general3A_74 = arith.constant dense<0.000000e+00> : vector<64x128xf32>
    %dot_general3A_75 = tpu.matmul %slice3A_14, %slice3A_73, %dot_general3A_74 {dimension_numbers = #tpu.dot_dimension_numbers<[1], [0], [0], [1], [0, 0, 1, 1], [], []>, transpose_lhs_hint = false} : vector<64x64xf32>, vector<64x128xf32>, vector<64x128xf32> -> vector<64x128xf32>
    %add3A_76 = arith.addf %dot_general3A_72, %dot_general3A_75 : vector<64x128xf32>
    %slice3A_77 = vector.extract_strided_slice %dot_general3A_5 {offsets = [576, 0], sizes = [64, 128], strides = [1, 1]} : vector<2048x128xf32> to vector<64x128xf32>
    %dot_general3A_78 = arith.constant dense<0.000000e+00> : vector<64x128xf32>
    %dot_general3A_79 = tpu.matmul %slice3A, %slice3A_77, %dot_general3A_78 {dimension_numbers = #tpu.dot_dimension_numbers<[1], [0], [0], [1], [0, 0, 1, 1], [], []>, transpose_lhs_hint = false} : vector<64x64xf32>, vector<64x128xf32>, vector<64x128xf32> -> vector<64x128xf32>
    %slice3A_80 = vector.extract_strided_slice %dot_general3A_10 {offsets = [576, 0], sizes = [64, 128], strides = [1, 1]} : vector<2048x128xf32> to vector<64x128xf32>
    %dot_general3A_81 = arith.constant dense<0.000000e+00> : vector<64x128xf32>
    %dot_general3A_82 = tpu.matmul %slice3A_14, %slice3A_80, %dot_general3A_81 {dimension_numbers = #tpu.dot_dimension_numbers<[1], [0], [0], [1], [0, 0, 1, 1], [], []>, transpose_lhs_hint = false} : vector<64x64xf32>, vector<64x128xf32>, vector<64x128xf32> -> vector<64x128xf32>
    %add3A_83 = arith.addf %dot_general3A_79, %dot_general3A_82 : vector<64x128xf32>
    %slice3A_84 = vector.extract_strided_slice %dot_general3A_5 {offsets = [640, 0], sizes = [64, 128], strides = [1, 1]} : vector<2048x128xf32> to vector<64x128xf32>
    %dot_general3A_85 = arith.constant dense<0.000000e+00> : vector<64x128xf32>
    %dot_general3A_86 = tpu.matmul %slice3A, %slice3A_84, %dot_general3A_85 {dimension_numbers = #tpu.dot_dimension_numbers<[1], [0], [0], [1], [0, 0, 1, 1], [], []>, transpose_lhs_hint = false} : vector<64x64xf32>, vector<64x128xf32>, vector<64x128xf32> -> vector<64x128xf32>
    %slice3A_87 = vector.extract_strided_slice %dot_general3A_10 {offsets = [640, 0], sizes = [64, 128], strides = [1, 1]} : vector<2048x128xf32> to vector<64x128xf32>
    %dot_general3A_88 = arith.constant dense<0.000000e+00> : vector<64x128xf32>
    %dot_general3A_89 = tpu.matmul %slice3A_14, %slice3A_87, %dot_general3A_88 {dimension_numbers = #tpu.dot_dimension_numbers<[1], [0], [0], [1], [0, 0, 1, 1], [], []>, transpose_lhs_hint = false} : vector<64x64xf32>, vector<64x128xf32>, vector<64x128xf32> -> vector<64x128xf32>
    %add3A_90 = arith.addf %dot_general3A_86, %dot_general3A_89 : vector<64x128xf32>
    %slice3A_91 = vector.extract_strided_slice %dot_general3A_5 {offsets = [704, 0], sizes = [64, 128], strides = [1, 1]} : vector<2048x128xf32> to vector<64x128xf32>
    %dot_general3A_92 = arith.constant dense<0.000000e+00> : vector<64x128xf32>
    %dot_general3A_93 = tpu.matmul %slice3A, %slice3A_91, %dot_general3A_92 {dimension_numbers = #tpu.dot_dimension_numbers<[1], [0], [0], [1], [0, 0, 1, 1], [], []>, transpose_lhs_hint = false} : vector<64x64xf32>, vector<64x128xf32>, vector<64x128xf32> -> vector<64x128xf32>
    %slice3A_94 = vector.extract_strided_slice %dot_general3A_10 {offsets = [704, 0], sizes = [64, 128], strides = [1, 1]} : vector<2048x128xf32> to vector<64x128xf32>
    %dot_general3A_95 = arith.constant dense<0.000000e+00> : vector<64x128xf32>
    %dot_general3A_96 = tpu.matmul %slice3A_14, %slice3A_94, %dot_general3A_95 {dimension_numbers = #tpu.dot_dimension_numbers<[1], [0], [0], [1], [0, 0, 1, 1], [], []>, transpose_lhs_hint = false} : vector<64x64xf32>, vector<64x128xf32>, vector<64x128xf32> -> vector<64x128xf32>
    %add3A_97 = arith.addf %dot_general3A_93, %dot_general3A_96 : vector<64x128xf32>
    %slice3A_98 = vector.extract_strided_slice %dot_general3A_5 {offsets = [768, 0], sizes = [64, 128], strides = [1, 1]} : vector<2048x128xf32> to vector<64x128xf32>
    %dot_general3A_99 = arith.constant dense<0.000000e+00> : vector<64x128xf32>
    %dot_general3A_100 = tpu.matmul %slice3A, %slice3A_98, %dot_general3A_99 {dimension_numbers = #tpu.dot_dimension_numbers<[1], [0], [0], [1], [0, 0, 1, 1], [], []>, transpose_lhs_hint = false} : vector<64x64xf32>, vector<64x128xf32>, vector<64x128xf32> -> vector<64x128xf32>
    %slice3A_101 = vector.extract_strided_slice %dot_general3A_10 {offsets = [768, 0], sizes = [64, 128], strides = [1, 1]} : vector<2048x128xf32> to vector<64x128xf32>
    %dot_general3A_102 = arith.constant dense<0.000000e+00> : vector<64x128xf32>
    %dot_general3A_103 = tpu.matmul %slice3A_14, %slice3A_101, %dot_general3A_102 {dimension_numbers = #tpu.dot_dimension_numbers<[1], [0], [0], [1], [0, 0, 1, 1], [], []>, transpose_lhs_hint = false} : vector<64x64xf32>, vector<64x128xf32>, vector<64x128xf32> -> vector<64x128xf32>
    %add3A_104 = arith.addf %dot_general3A_100, %dot_general3A_103 : vector<64x128xf32>
    %slice3A_105 = vector.extract_strided_slice %dot_general3A_5 {offsets = [832, 0], sizes = [64, 128], strides = [1, 1]} : vector<2048x128xf32> to vector<64x128xf32>
    %dot_general3A_106 = arith.constant dense<0.000000e+00> : vector<64x128xf32>
    %dot_general3A_107 = tpu.matmul %slice3A, %slice3A_105, %dot_general3A_106 {dimension_numbers = #tpu.dot_dimension_numbers<[1], [0], [0], [1], [0, 0, 1, 1], [], []>, transpose_lhs_hint = false} : vector<64x64xf32>, vector<64x128xf32>, vector<64x128xf32> -> vector<64x128xf32>
    %slice3A_108 = vector.extract_strided_slice %dot_general3A_10 {offsets = [832, 0], sizes = [64, 128], strides = [1, 1]} : vector<2048x128xf32> to vector<64x128xf32>
    %dot_general3A_109 = arith.constant dense<0.000000e+00> : vector<64x128xf32>
    %dot_general3A_110 = tpu.matmul %slice3A_14, %slice3A_108, %dot_general3A_109 {dimension_numbers = #tpu.dot_dimension_numbers<[1], [0], [0], [1], [0, 0, 1, 1], [], []>, transpose_lhs_hint = false} : vector<64x64xf32>, vector<64x128xf32>, vector<64x128xf32> -> vector<64x128xf32>
    %add3A_111 = arith.addf %dot_general3A_107, %dot_general3A_110 : vector<64x128xf32>
    %slice3A_112 = vector.extract_strided_slice %dot_general3A_5 {offsets = [896, 0], sizes = [64, 128], strides = [1, 1]} : vector<2048x128xf32> to vector<64x128xf32>
    %dot_general3A_113 = arith.constant dense<0.000000e+00> : vector<64x128xf32>
    %dot_general3A_114 = tpu.matmul %slice3A, %slice3A_112, %dot_general3A_113 {dimension_numbers = #tpu.dot_dimension_numbers<[1], [0], [0], [1], [0, 0, 1, 1], [], []>, transpose_lhs_hint = false} : vector<64x64xf32>, vector<64x128xf32>, vector<64x128xf32> -> vector<64x128xf32>
    %slice3A_115 = vector.extract_strided_slice %dot_general3A_10 {offsets = [896, 0], sizes = [64, 128], strides = [1, 1]} : vector<2048x128xf32> to vector<64x128xf32>
    %dot_general3A_116 = arith.constant dense<0.000000e+00> : vector<64x128xf32>
    %dot_general3A_117 = tpu.matmul %slice3A_14, %slice3A_115, %dot_general3A_116 {dimension_numbers = #tpu.dot_dimension_numbers<[1], [0], [0], [1], [0, 0, 1, 1], [], []>, transpose_lhs_hint = false} : vector<64x64xf32>, vector<64x128xf32>, vector<64x128xf32> -> vector<64x128xf32>
    %add3A_118 = arith.addf %dot_general3A_114, %dot_general3A_117 : vector<64x128xf32>
    %slice3A_119 = vector.extract_strided_slice %dot_general3A_5 {offsets = [960, 0], sizes = [64, 128], strides = [1, 1]} : vector<2048x128xf32> to vector<64x128xf32>
    %dot_general3A_120 = arith.constant dense<0.000000e+00> : vector<64x128xf32>
    %dot_general3A_121 = tpu.matmul %slice3A, %slice3A_119, %dot_general3A_120 {dimension_numbers = #tpu.dot_dimension_numbers<[1], [0], [0], [1], [0, 0, 1, 1], [], []>, transpose_lhs_hint = false} : vector<64x64xf32>, vector<64x128xf32>, vector<64x128xf32> -> vector<64x128xf32>
    %slice3A_122 = vector.extract_strided_slice %dot_general3A_10 {offsets = [960, 0], sizes = [64, 128], strides = [1, 1]} : vector<2048x128xf32> to vector<64x128xf32>
    %dot_general3A_123 = arith.constant dense<0.000000e+00> : vector<64x128xf32>
    %dot_general3A_124 = tpu.matmul %slice3A_14, %slice3A_122, %dot_general3A_123 {dimension_numbers = #tpu.dot_dimension_numbers<[1], [0], [0], [1], [0, 0, 1, 1], [], []>, transpose_lhs_hint = false} : vector<64x64xf32>, vector<64x128xf32>, vector<64x128xf32> -> vector<64x128xf32>
    %add3A_125 = arith.addf %dot_general3A_121, %dot_general3A_124 : vector<64x128xf32>
    %slice3A_126 = vector.extract_strided_slice %dot_general3A_5 {offsets = [1024, 0], sizes = [64, 128], strides = [1, 1]} : vector<2048x128xf32> to vector<64x128xf32>
    %dot_general3A_127 = arith.constant dense<0.000000e+00> : vector<64x128xf32>
    %dot_general3A_128 = tpu.matmul %slice3A, %slice3A_126, %dot_general3A_127 {dimension_numbers = #tpu.dot_dimension_numbers<[1], [0], [0], [1], [0, 0, 1, 1], [], []>, transpose_lhs_hint = false} : vector<64x64xf32>, vector<64x128xf32>, vector<64x128xf32> -> vector<64x128xf32>
    %slice3A_129 = vector.extract_strided_slice %dot_general3A_10 {offsets = [1024, 0], sizes = [64, 128], strides = [1, 1]} : vector<2048x128xf32> to vector<64x128xf32>
    %dot_general3A_130 = arith.constant dense<0.000000e+00> : vector<64x128xf32>
    %dot_general3A_131 = tpu.matmul %slice3A_14, %slice3A_129, %dot_general3A_130 {dimension_numbers = #tpu.dot_dimension_numbers<[1], [0], [0], [1], [0, 0, 1, 1], [], []>, transpose_lhs_hint = false} : vector<64x64xf32>, vector<64x128xf32>, vector<64x128xf32> -> vector<64x128xf32>
    %add3A_132 = arith.addf %dot_general3A_128, %dot_general3A_131 : vector<64x128xf32>
    %slice3A_133 = vector.extract_strided_slice %dot_general3A_5 {offsets = [1088, 0], sizes = [64, 128], strides = [1, 1]} : vector<2048x128xf32> to vector<64x128xf32>
    %dot_general3A_134 = arith.constant dense<0.000000e+00> : vector<64x128xf32>
    %dot_general3A_135 = tpu.matmul %slice3A, %slice3A_133, %dot_general3A_134 {dimension_numbers = #tpu.dot_dimension_numbers<[1], [0], [0], [1], [0, 0, 1, 1], [], []>, transpose_lhs_hint = false} : vector<64x64xf32>, vector<64x128xf32>, vector<64x128xf32> -> vector<64x128xf32>
    %slice3A_136 = vector.extract_strided_slice %dot_general3A_10 {offsets = [1088, 0], sizes = [64, 128], strides = [1, 1]} : vector<2048x128xf32> to vector<64x128xf32>
    %dot_general3A_137 = arith.constant dense<0.000000e+00> : vector<64x128xf32>
    %dot_general3A_138 = tpu.matmul %slice3A_14, %slice3A_136, %dot_general3A_137 {dimension_numbers = #tpu.dot_dimension_numbers<[1], [0], [0], [1], [0, 0, 1, 1], [], []>, transpose_lhs_hint = false} : vector<64x64xf32>, vector<64x128xf32>, vector<64x128xf32> -> vector<64x128xf32>
    %add3A_139 = arith.addf %dot_general3A_135, %dot_general3A_138 : vector<64x128xf32>
    %slice3A_140 = vector.extract_strided_slice %dot_general3A_5 {offsets = [1152, 0], sizes = [64, 128], strides = [1, 1]} : vector<2048x128xf32> to vector<64x128xf32>
    %dot_general3A_141 = arith.constant dense<0.000000e+00> : vector<64x128xf32>
    %dot_general3A_142 = tpu.matmul %slice3A, %slice3A_140, %dot_general3A_141 {dimension_numbers = #tpu.dot_dimension_numbers<[1], [0], [0], [1], [0, 0, 1, 1], [], []>, transpose_lhs_hint = false} : vector<64x64xf32>, vector<64x128xf32>, vector<64x128xf32> -> vector<64x128xf32>
    %slice3A_143 = vector.extract_strided_slice %dot_general3A_10 {offsets = [1152, 0], sizes = [64, 128], strides = [1, 1]} : vector<2048x128xf32> to vector<64x128xf32>
    %dot_general3A_144 = arith.constant dense<0.000000e+00> : vector<64x128xf32>
    %dot_general3A_145 = tpu.matmul %slice3A_14, %slice3A_143, %dot_general3A_144 {dimension_numbers = #tpu.dot_dimension_numbers<[1], [0], [0], [1], [0, 0, 1, 1], [], []>, transpose_lhs_hint = false} : vector<64x64xf32>, vector<64x128xf32>, vector<64x128xf32> -> vector<64x128xf32>
    %add3A_146 = arith.addf %dot_general3A_142, %dot_general3A_145 : vector<64x128xf32>
    %slice3A_147 = vector.extract_strided_slice %dot_general3A_5 {offsets = [1216, 0], sizes = [64, 128], strides = [1, 1]} : vector<2048x128xf32> to vector<64x128xf32>
    %dot_general3A_148 = arith.constant dense<0.000000e+00> : vector<64x128xf32>
    %dot_general3A_149 = tpu.matmul %slice3A, %slice3A_147, %dot_general3A_148 {dimension_numbers = #tpu.dot_dimension_numbers<[1], [0], [0], [1], [0, 0, 1, 1], [], []>, transpose_lhs_hint = false} : vector<64x64xf32>, vector<64x128xf32>, vector<64x128xf32> -> vector<64x128xf32>
    %slice3A_150 = vector.extract_strided_slice %dot_general3A_10 {offsets = [1216, 0], sizes = [64, 128], strides = [1, 1]} : vector<2048x128xf32> to vector<64x128xf32>
    %dot_general3A_151 = arith.constant dense<0.000000e+00> : vector<64x128xf32>
    %dot_general3A_152 = tpu.matmul %slice3A_14, %slice3A_150, %dot_general3A_151 {dimension_numbers = #tpu.dot_dimension_numbers<[1], [0], [0], [1], [0, 0, 1, 1], [], []>, transpose_lhs_hint = false} : vector<64x64xf32>, vector<64x128xf32>, vector<64x128xf32> -> vector<64x128xf32>
    %add3A_153 = arith.addf %dot_general3A_149, %dot_general3A_152 : vector<64x128xf32>
    %slice3A_154 = vector.extract_strided_slice %dot_general3A_5 {offsets = [1280, 0], sizes = [64, 128], strides = [1, 1]} : vector<2048x128xf32> to vector<64x128xf32>
    %dot_general3A_155 = arith.constant dense<0.000000e+00> : vector<64x128xf32>
    %dot_general3A_156 = tpu.matmul %slice3A, %slice3A_154, %dot_general3A_155 {dimension_numbers = #tpu.dot_dimension_numbers<[1], [0], [0], [1], [0, 0, 1, 1], [], []>, transpose_lhs_hint = false} : vector<64x64xf32>, vector<64x128xf32>, vector<64x128xf32> -> vector<64x128xf32>
    %slice3A_157 = vector.extract_strided_slice %dot_general3A_10 {offsets = [1280, 0], sizes = [64, 128], strides = [1, 1]} : vector<2048x128xf32> to vector<64x128xf32>
    %dot_general3A_158 = arith.constant dense<0.000000e+00> : vector<64x128xf32>
    %dot_general3A_159 = tpu.matmul %slice3A_14, %slice3A_157, %dot_general3A_158 {dimension_numbers = #tpu.dot_dimension_numbers<[1], [0], [0], [1], [0, 0, 1, 1], [], []>, transpose_lhs_hint = false} : vector<64x64xf32>, vector<64x128xf32>, vector<64x128xf32> -> vector<64x128xf32>
    %add3A_160 = arith.addf %dot_general3A_156, %dot_general3A_159 : vector<64x128xf32>
    %slice3A_161 = vector.extract_strided_slice %dot_general3A_5 {offsets = [1344, 0], sizes = [64, 128], strides = [1, 1]} : vector<2048x128xf32> to vector<64x128xf32>
    %dot_general3A_162 = arith.constant dense<0.000000e+00> : vector<64x128xf32>
    %dot_general3A_163 = tpu.matmul %slice3A, %slice3A_161, %dot_general3A_162 {dimension_numbers = #tpu.dot_dimension_numbers<[1], [0], [0], [1], [0, 0, 1, 1], [], []>, transpose_lhs_hint = false} : vector<64x64xf32>, vector<64x128xf32>, vector<64x128xf32> -> vector<64x128xf32>
    %slice3A_164 = vector.extract_strided_slice %dot_general3A_10 {offsets = [1344, 0], sizes = [64, 128], strides = [1, 1]} : vector<2048x128xf32> to vector<64x128xf32>
    %dot_general3A_165 = arith.constant dense<0.000000e+00> : vector<64x128xf32>
    %dot_general3A_166 = tpu.matmul %slice3A_14, %slice3A_164, %dot_general3A_165 {dimension_numbers = #tpu.dot_dimension_numbers<[1], [0], [0], [1], [0, 0, 1, 1], [], []>, transpose_lhs_hint = false} : vector<64x64xf32>, vector<64x128xf32>, vector<64x128xf32> -> vector<64x128xf32>
    %add3A_167 = arith.addf %dot_general3A_163, %dot_general3A_166 : vector<64x128xf32>
    %slice3A_168 = vector.extract_strided_slice %dot_general3A_5 {offsets = [1408, 0], sizes = [64, 128], strides = [1, 1]} : vector<2048x128xf32> to vector<64x128xf32>
    %dot_general3A_169 = arith.constant dense<0.000000e+00> : vector<64x128xf32>
    %dot_general3A_170 = tpu.matmul %slice3A, %slice3A_168, %dot_general3A_169 {dimension_numbers = #tpu.dot_dimension_numbers<[1], [0], [0], [1], [0, 0, 1, 1], [], []>, transpose_lhs_hint = false} : vector<64x64xf32>, vector<64x128xf32>, vector<64x128xf32> -> vector<64x128xf32>
    %slice3A_171 = vector.extract_strided_slice %dot_general3A_10 {offsets = [1408, 0], sizes = [64, 128], strides = [1, 1]} : vector<2048x128xf32> to vector<64x128xf32>
    %dot_general3A_172 = arith.constant dense<0.000000e+00> : vector<64x128xf32>
    %dot_general3A_173 = tpu.matmul %slice3A_14, %slice3A_171, %dot_general3A_172 {dimension_numbers = #tpu.dot_dimension_numbers<[1], [0], [0], [1], [0, 0, 1, 1], [], []>, transpose_lhs_hint = false} : vector<64x64xf32>, vector<64x128xf32>, vector<64x128xf32> -> vector<64x128xf32>
    %add3A_174 = arith.addf %dot_general3A_170, %dot_general3A_173 : vector<64x128xf32>
    %slice3A_175 = vector.extract_strided_slice %dot_general3A_5 {offsets = [1472, 0], sizes = [64, 128], strides = [1, 1]} : vector<2048x128xf32> to vector<64x128xf32>
    %dot_general3A_176 = arith.constant dense<0.000000e+00> : vector<64x128xf32>
    %dot_general3A_177 = tpu.matmul %slice3A, %slice3A_175, %dot_general3A_176 {dimension_numbers = #tpu.dot_dimension_numbers<[1], [0], [0], [1], [0, 0, 1, 1], [], []>, transpose_lhs_hint = false} : vector<64x64xf32>, vector<64x128xf32>, vector<64x128xf32> -> vector<64x128xf32>
    %slice3A_178 = vector.extract_strided_slice %dot_general3A_10 {offsets = [1472, 0], sizes = [64, 128], strides = [1, 1]} : vector<2048x128xf32> to vector<64x128xf32>
    %dot_general3A_179 = arith.constant dense<0.000000e+00> : vector<64x128xf32>
    %dot_general3A_180 = tpu.matmul %slice3A_14, %slice3A_178, %dot_general3A_179 {dimension_numbers = #tpu.dot_dimension_numbers<[1], [0], [0], [1], [0, 0, 1, 1], [], []>, transpose_lhs_hint = false} : vector<64x64xf32>, vector<64x128xf32>, vector<64x128xf32> -> vector<64x128xf32>
    %add3A_181 = arith.addf %dot_general3A_177, %dot_general3A_180 : vector<64x128xf32>
    %slice3A_182 = vector.extract_strided_slice %dot_general3A_5 {offsets = [1536, 0], sizes = [64, 128], strides = [1, 1]} : vector<2048x128xf32> to vector<64x128xf32>
    %dot_general3A_183 = arith.constant dense<0.000000e+00> : vector<64x128xf32>
    %dot_general3A_184 = tpu.matmul %slice3A, %slice3A_182, %dot_general3A_183 {dimension_numbers = #tpu.dot_dimension_numbers<[1], [0], [0], [1], [0, 0, 1, 1], [], []>, transpose_lhs_hint = false} : vector<64x64xf32>, vector<64x128xf32>, vector<64x128xf32> -> vector<64x128xf32>
    %slice3A_185 = vector.extract_strided_slice %dot_general3A_10 {offsets = [1536, 0], sizes = [64, 128], strides = [1, 1]} : vector<2048x128xf32> to vector<64x128xf32>
    %dot_general3A_186 = arith.constant dense<0.000000e+00> : vector<64x128xf32>
    %dot_general3A_187 = tpu.matmul %slice3A_14, %slice3A_185, %dot_general3A_186 {dimension_numbers = #tpu.dot_dimension_numbers<[1], [0], [0], [1], [0, 0, 1, 1], [], []>, transpose_lhs_hint = false} : vector<64x64xf32>, vector<64x128xf32>, vector<64x128xf32> -> vector<64x128xf32>
    %add3A_188 = arith.addf %dot_general3A_184, %dot_general3A_187 : vector<64x128xf32>
    %slice3A_189 = vector.extract_strided_slice %dot_general3A_5 {offsets = [1600, 0], sizes = [64, 128], strides = [1, 1]} : vector<2048x128xf32> to vector<64x128xf32>
    %dot_general3A_190 = arith.constant dense<0.000000e+00> : vector<64x128xf32>
    %dot_general3A_191 = tpu.matmul %slice3A, %slice3A_189, %dot_general3A_190 {dimension_numbers = #tpu.dot_dimension_numbers<[1], [0], [0], [1], [0, 0, 1, 1], [], []>, transpose_lhs_hint = false} : vector<64x64xf32>, vector<64x128xf32>, vector<64x128xf32> -> vector<64x128xf32>
    %slice3A_192 = vector.extract_strided_slice %dot_general3A_10 {offsets = [1600, 0], sizes = [64, 128], strides = [1, 1]} : vector<2048x128xf32> to vector<64x128xf32>
    %dot_general3A_193 = arith.constant dense<0.000000e+00> : vector<64x128xf32>
    %dot_general3A_194 = tpu.matmul %slice3A_14, %slice3A_192, %dot_general3A_193 {dimension_numbers = #tpu.dot_dimension_numbers<[1], [0], [0], [1], [0, 0, 1, 1], [], []>, transpose_lhs_hint = false} : vector<64x64xf32>, vector<64x128xf32>, vector<64x128xf32> -> vector<64x128xf32>
    %add3A_195 = arith.addf %dot_general3A_191, %dot_general3A_194 : vector<64x128xf32>
    %slice3A_196 = vector.extract_strided_slice %dot_general3A_5 {offsets = [1664, 0], sizes = [64, 128], strides = [1, 1]} : vector<2048x128xf32> to vector<64x128xf32>
    %dot_general3A_197 = arith.constant dense<0.000000e+00> : vector<64x128xf32>
    %dot_general3A_198 = tpu.matmul %slice3A, %slice3A_196, %dot_general3A_197 {dimension_numbers = #tpu.dot_dimension_numbers<[1], [0], [0], [1], [0, 0, 1, 1], [], []>, transpose_lhs_hint = false} : vector<64x64xf32>, vector<64x128xf32>, vector<64x128xf32> -> vector<64x128xf32>
    %slice3A_199 = vector.extract_strided_slice %dot_general3A_10 {offsets = [1664, 0], sizes = [64, 128], strides = [1, 1]} : vector<2048x128xf32> to vector<64x128xf32>
    %dot_general3A_200 = arith.constant dense<0.000000e+00> : vector<64x128xf32>
    %dot_general3A_201 = tpu.matmul %slice3A_14, %slice3A_199, %dot_general3A_200 {dimension_numbers = #tpu.dot_dimension_numbers<[1], [0], [0], [1], [0, 0, 1, 1], [], []>, transpose_lhs_hint = false} : vector<64x64xf32>, vector<64x128xf32>, vector<64x128xf32> -> vector<64x128xf32>
    %add3A_202 = arith.addf %dot_general3A_198, %dot_general3A_201 : vector<64x128xf32>
    %slice3A_203 = vector.extract_strided_slice %dot_general3A_5 {offsets = [1728, 0], sizes = [64, 128], strides = [1, 1]} : vector<2048x128xf32> to vector<64x128xf32>
    %dot_general3A_204 = arith.constant dense<0.000000e+00> : vector<64x128xf32>
    %dot_general3A_205 = tpu.matmul %slice3A, %slice3A_203, %dot_general3A_204 {dimension_numbers = #tpu.dot_dimension_numbers<[1], [0], [0], [1], [0, 0, 1, 1], [], []>, transpose_lhs_hint = false} : vector<64x64xf32>, vector<64x128xf32>, vector<64x128xf32> -> vector<64x128xf32>
    %slice3A_206 = vector.extract_strided_slice %dot_general3A_10 {offsets = [1728, 0], sizes = [64, 128], strides = [1, 1]} : vector<2048x128xf32> to vector<64x128xf32>
    %dot_general3A_207 = arith.constant dense<0.000000e+00> : vector<64x128xf32>
    %dot_general3A_208 = tpu.matmul %slice3A_14, %slice3A_206, %dot_general3A_207 {dimension_numbers = #tpu.dot_dimension_numbers<[1], [0], [0], [1], [0, 0, 1, 1], [], []>, transpose_lhs_hint = false} : vector<64x64xf32>, vector<64x128xf32>, vector<64x128xf32> -> vector<64x128xf32>
    %add3A_209 = arith.addf %dot_general3A_205, %dot_general3A_208 : vector<64x128xf32>
    %slice3A_210 = vector.extract_strided_slice %dot_general3A_5 {offsets = [1792, 0], sizes = [64, 128], strides = [1, 1]} : vector<2048x128xf32> to vector<64x128xf32>
    %dot_general3A_211 = arith.constant dense<0.000000e+00> : vector<64x128xf32>
    %dot_general3A_212 = tpu.matmul %slice3A, %slice3A_210, %dot_general3A_211 {dimension_numbers = #tpu.dot_dimension_numbers<[1], [0], [0], [1], [0, 0, 1, 1], [], []>, transpose_lhs_hint = false} : vector<64x64xf32>, vector<64x128xf32>, vector<64x128xf32> -> vector<64x128xf32>
    %slice3A_213 = vector.extract_strided_slice %dot_general3A_10 {offsets = [1792, 0], sizes = [64, 128], strides = [1, 1]} : vector<2048x128xf32> to vector<64x128xf32>
    %dot_general3A_214 = arith.constant dense<0.000000e+00> : vector<64x128xf32>
    %dot_general3A_215 = tpu.matmul %slice3A_14, %slice3A_213, %dot_general3A_214 {dimension_numbers = #tpu.dot_dimension_numbers<[1], [0], [0], [1], [0, 0, 1, 1], [], []>, transpose_lhs_hint = false} : vector<64x64xf32>, vector<64x128xf32>, vector<64x128xf32> -> vector<64x128xf32>
    %add3A_216 = arith.addf %dot_general3A_212, %dot_general3A_215 : vector<64x128xf32>
    %slice3A_217 = vector.extract_strided_slice %dot_general3A_5 {offsets = [1856, 0], sizes = [64, 128], strides = [1, 1]} : vector<2048x128xf32> to vector<64x128xf32>
    %dot_general3A_218 = arith.constant dense<0.000000e+00> : vector<64x128xf32>
    %dot_general3A_219 = tpu.matmul %slice3A, %slice3A_217, %dot_general3A_218 {dimension_numbers = #tpu.dot_dimension_numbers<[1], [0], [0], [1], [0, 0, 1, 1], [], []>, transpose_lhs_hint = false} : vector<64x64xf32>, vector<64x128xf32>, vector<64x128xf32> -> vector<64x128xf32>
    %slice3A_220 = vector.extract_strided_slice %dot_general3A_10 {offsets = [1856, 0], sizes = [64, 128], strides = [1, 1]} : vector<2048x128xf32> to vector<64x128xf32>
    %dot_general3A_221 = arith.constant dense<0.000000e+00> : vector<64x128xf32>
    %dot_general3A_222 = tpu.matmul %slice3A_14, %slice3A_220, %dot_general3A_221 {dimension_numbers = #tpu.dot_dimension_numbers<[1], [0], [0], [1], [0, 0, 1, 1], [], []>, transpose_lhs_hint = false} : vector<64x64xf32>, vector<64x128xf32>, vector<64x128xf32> -> vector<64x128xf32>
    %add3A_223 = arith.addf %dot_general3A_219, %dot_general3A_222 : vector<64x128xf32>
    %slice3A_224 = vector.extract_strided_slice %dot_general3A_5 {offsets = [1920, 0], sizes = [64, 128], strides = [1, 1]} : vector<2048x128xf32> to vector<64x128xf32>
    %dot_general3A_225 = arith.constant dense<0.000000e+00> : vector<64x128xf32>
    %dot_general3A_226 = tpu.matmul %slice3A, %slice3A_224, %dot_general3A_225 {dimension_numbers = #tpu.dot_dimension_numbers<[1], [0], [0], [1], [0, 0, 1, 1], [], []>, transpose_lhs_hint = false} : vector<64x64xf32>, vector<64x128xf32>, vector<64x128xf32> -> vector<64x128xf32>
    %slice3A_227 = vector.extract_strided_slice %dot_general3A_10 {offsets = [1920, 0], sizes = [64, 128], strides = [1, 1]} : vector<2048x128xf32> to vector<64x128xf32>
    %dot_general3A_228 = arith.constant dense<0.000000e+00> : vector<64x128xf32>
    %dot_general3A_229 = tpu.matmul %slice3A_14, %slice3A_227, %dot_general3A_228 {dimension_numbers = #tpu.dot_dimension_numbers<[1], [0], [0], [1], [0, 0, 1, 1], [], []>, transpose_lhs_hint = false} : vector<64x64xf32>, vector<64x128xf32>, vector<64x128xf32> -> vector<64x128xf32>
    %add3A_230 = arith.addf %dot_general3A_226, %dot_general3A_229 : vector<64x128xf32>
    %slice3A_231 = vector.extract_strided_slice %dot_general3A_5 {offsets = [1984, 0], sizes = [64, 128], strides = [1, 1]} : vector<2048x128xf32> to vector<64x128xf32>
    %dot_general3A_232 = arith.constant dense<0.000000e+00> : vector<64x128xf32>
    %dot_general3A_233 = tpu.matmul %slice3A, %slice3A_231, %dot_general3A_232 {dimension_numbers = #tpu.dot_dimension_numbers<[1], [0], [0], [1], [0, 0, 1, 1], [], []>, transpose_lhs_hint = false} : vector<64x64xf32>, vector<64x128xf32>, vector<64x128xf32> -> vector<64x128xf32>
    %slice3A_234 = vector.extract_strided_slice %dot_general3A_10 {offsets = [1984, 0], sizes = [64, 128], strides = [1, 1]} : vector<2048x128xf32> to vector<64x128xf32>
    %dot_general3A_235 = arith.constant dense<0.000000e+00> : vector<64x128xf32>
    %dot_general3A_236 = tpu.matmul %slice3A_14, %slice3A_234, %dot_general3A_235 {dimension_numbers = #tpu.dot_dimension_numbers<[1], [0], [0], [1], [0, 0, 1, 1], [], []>, transpose_lhs_hint = false} : vector<64x64xf32>, vector<64x128xf32>, vector<64x128xf32> -> vector<64x128xf32>
    %add3A_237 = arith.addf %dot_general3A_233, %dot_general3A_236 : vector<64x128xf32>
    %concatenate3A = tpu.concatenate %add3A, %add3A_27, %add3A_34, %add3A_41, %add3A_48, %add3A_55, %add3A_62, %add3A_69, %add3A_76, %add3A_83, %add3A_90, %add3A_97, %add3A_104, %add3A_111, %add3A_118, %add3A_125, %add3A_132, %add3A_139, %add3A_146, %add3A_153, %add3A_160, %add3A_167, %add3A_174, %add3A_181, %add3A_188, %add3A_195, %add3A_202, %add3A_209, %add3A_216, %add3A_223, %add3A_230, %add3A_237 in 0 : vector<64x128xf32>, vector<64x128xf32>, vector<64x128xf32>, vector<64x128xf32>, vector<64x128xf32>, vector<64x128xf32>, vector<64x128xf32>, vector<64x128xf32>, vector<64x128xf32>, vector<64x128xf32>, vector<64x128xf32>, vector<64x128xf32>, vector<64x128xf32>, vector<64x128xf32>, vector<64x128xf32>, vector<64x128xf32>, vector<64x128xf32>, vector<64x128xf32>, vector<64x128xf32>, vector<64x128xf32>, vector<64x128xf32>, vector<64x128xf32>, vector<64x128xf32>, vector<64x128xf32>, vector<64x128xf32>, vector<64x128xf32>, vector<64x128xf32>, vector<64x128xf32>, vector<64x128xf32>, vector<64x128xf32>, vector<64x128xf32>, vector<64x128xf32> -> vector<2048x128xf32>
    %reshape3A = vector.shape_cast %concatenate3A : vector<2048x128xf32> to vector<32x64x128xf32>
    %get3A_238 = arith.constant 0 : index
    %get3A_239 = arith.constant 0 : index
    %get3A_240 = vector.load %arg5[%get3A_238, %get3A_239] : memref<64x128xf32, #tpu.memory_space<vmem>>, vector<64x128xf32>
    %broadcast_in_dim3A = vector.shape_cast %get3A_240 : vector<64x128xf32> to vector<1x64x128xf32>
    %add3A_241 = vector.broadcast %broadcast_in_dim3A : vector<1x64x128xf32> to vector<32x64x128xf32>
    %add3A_242 = arith.addf %reshape3A, %add3A_241 : vector<32x64x128xf32>
    %reshape3A_243 = vector.shape_cast %get3A_1 : vector<2048x128xf32> to vector<32x64x128xf32>
    %mul3A = arith.constant 5.000000e-01 : f32
    %mul3A_244 = vector.broadcast %mul3A : f32 to vector<32x64x128xf32>
    %mul3A_245 = arith.mulf %mul3A_244, %add3A_242 : vector<32x64x128xf32>
    %mul3A_246 = arith.constant 0.707106769 : f32
    %mul3A_247 = vector.broadcast %mul3A_246 : f32 to vector<32x64x128xf32>
    %mul3A_248 = arith.mulf %add3A_242, %mul3A_247 : vector<32x64x128xf32>
    %erf3A = math.erf %mul3A_248 : vector<32x64x128xf32>
    %add3A_249 = arith.constant 1.000000e+00 : f32
    %add3A_250 = vector.broadcast %add3A_249 : f32 to vector<32x64x128xf32>
    %add3A_251 = arith.addf %add3A_250, %erf3A : vector<32x64x128xf32>
    %mul3A_252 = arith.mulf %mul3A_245, %add3A_251 : vector<32x64x128xf32>
    %add3A_253 = arith.addf %reshape3A_243, %mul3A_252 : vector<32x64x128xf32>
    %reduce_sum3A = arith.constant dense<0.000000e+00> : vector<32x64xf32>
    %reduce_sum3A_254 = vector.multi_reduction <add>, %add3A_253, %reduce_sum3A [2] : vector<32x64x128xf32> to vector<32x64xf32>
    %broadcast_in_dim3A_255 = vector.shape_cast %reduce_sum3A_254 : vector<32x64xf32> to vector<32x64x1xf32>
    %div3A = arith.constant 1.280000e+02 : f32
    %div3A_256 = vector.broadcast %div3A : f32 to vector<32x64x1xf32>
    %div3A_257 = arith.divf %broadcast_in_dim3A_255, %div3A_256 : vector<32x64x1xf32>
    %sub3A = vector.broadcast %div3A_257 : vector<32x64x1xf32> to vector<32x64x128xf32>
    %sub3A_258 = arith.subf %add3A_253, %sub3A : vector<32x64x128xf32>
    %integer_pow3A = arith.mulf %sub3A_258, %sub3A_258 : vector<32x64x128xf32>
    %reduce_sum3A_259 = arith.constant dense<0.000000e+00> : vector<32x64xf32>
    %reduce_sum3A_260 = vector.multi_reduction <add>, %integer_pow3A, %reduce_sum3A_259 [2] : vector<32x64x128xf32> to vector<32x64xf32>
    %broadcast_in_dim3A_261 = vector.shape_cast %reduce_sum3A_260 : vector<32x64xf32> to vector<32x64x1xf32>
    %div3A_262 = arith.constant 1.280000e+02 : f32
    %div3A_263 = vector.broadcast %div3A_262 : f32 to vector<32x64x1xf32>
    %div3A_264 = arith.divf %broadcast_in_dim3A_261, %div3A_263 : vector<32x64x1xf32>
    %sub3A_265 = vector.broadcast %div3A_257 : vector<32x64x1xf32> to vector<32x64x128xf32>
    %sub3A_266 = arith.subf %add3A_253, %sub3A_265 : vector<32x64x128xf32>
    %add3A_267 = arith.constant 9.99999974E-6 : f32
    %add3A_268 = vector.broadcast %add3A_267 : f32 to vector<32x64x1xf32>
    %add3A_269 = arith.addf %div3A_264, %add3A_268 : vector<32x64x1xf32>
    %sqrt3A = math.sqrt %add3A_269 : vector<32x64x1xf32>
    %div3A_270 = vector.broadcast %sqrt3A : vector<32x64x1xf32> to vector<32x64x128xf32>
    %div3A_271 = arith.divf %sub3A_266, %div3A_270 : vector<32x64x128xf32>
    %get3A_272 = arith.constant 0 : index
    %get3A_273 = arith.constant 0 : index
    %get3A_274 = vector.load %arg6[%get3A_272, %get3A_273] : memref<1x128xf32, #tpu.memory_space<vmem>>, vector<1x128xf32>
    %reshape3A_275 = vector.shape_cast %get3A_274 : vector<1x128xf32> to vector<1x1x128xf32>
    %mul3A_276 = vector.broadcast %reshape3A_275 : vector<1x1x128xf32> to vector<32x64x128xf32>
    %mul3A_277 = arith.mulf %div3A_271, %mul3A_276 : vector<32x64x128xf32>
    %get3A_278 = arith.constant 0 : index
    %get3A_279 = arith.constant 0 : index
    %get3A_280 = vector.load %arg7[%get3A_278, %get3A_279] : memref<1x128xf32, #tpu.memory_space<vmem>>, vector<1x128xf32>
    %reshape3A_281 = vector.shape_cast %get3A_280 : vector<1x128xf32> to vector<1x1x128xf32>
    %add3A_282 = vector.broadcast %reshape3A_281 : vector<1x1x128xf32> to vector<32x64x128xf32>
    %add3A_283 = arith.addf %mul3A_277, %add3A_282 : vector<32x64x128xf32>
    %slice3A_284 = vector.extract_strided_slice %add3A_283 {offsets = [0, 0, 0], sizes = [32, 55, 128], strides = [1, 1, 1]} : vector<32x64x128xf32> to vector<32x55x128xf32>
    %swap3A = arith.constant 0 : index
    %swap3A_285 = arith.constant 0 : index
    %swap3A_286 = arith.constant 0 : index
    %swap3A_287 = vector.load %arg8[%swap3A, %swap3A_285, %swap3A_286] : memref<32x55x128xf32, #tpu.memory_space<vmem>>, vector<32x55x128xf32>
    tpu.vector_store %arg8[%swap3A, %swap3A_285, %swap3A_286], %slice3A_284 {strides = array<i32>} : memref<32x55x128xf32, #tpu.memory_space<vmem>>, vector<32x55x128xf32>,
    return
  }
  func.func @transform_0(%arg0: i32) -> (i32, i32) {
    %c0_i32 = arith.constant 0 : i32
    %c0_i32_0 = arith.constant 0 : i32
    return %arg0, %c0_i32 : i32, i32
  }
  func.func @transform_1(%arg0: i32) -> (i32, i32) {
    %c0_i32 = arith.constant 0 : i32
    %c0_i32_0 = arith.constant 0 : i32
    %c0_i32_1 = arith.constant 0 : i32
    return %c0_i32, %c0_i32_0 : i32, i32
  }
  func.func @transform_2(%arg0: i32) -> (i32, i32) {
    %c0_i32 = arith.constant 0 : i32
    %c0_i32_0 = arith.constant 0 : i32
    %c0_i32_1 = arith.constant 0 : i32
    return %c0_i32, %c0_i32_0 : i32, i32
  }
  func.func @transform_3(%arg0: i32) -> (i32, i32) {
    %c0_i32 = arith.constant 0 : i32
    %c0_i32_0 = arith.constant 0 : i32
    %c0_i32_1 = arith.constant 0 : i32
    return %c0_i32, %c0_i32_0 : i32, i32
  }
  func.func @transform_4(%arg0: i32) -> (i32, i32) {
    %c0_i32 = arith.constant 0 : i32
    %c0_i32_0 = arith.constant 0 : i32
    %c0_i32_1 = arith.constant 0 : i32
    return %c0_i32, %c0_i32_0 : i32, i32
  }
  func.func @transform_5(%arg0: i32) -> (i32, i32) {
    %c0_i32 = arith.constant 0 : i32
    %c0_i32_0 = arith.constant 0 : i32
    %c0_i32_1 = arith.constant 0 : i32
    return %c0_i32, %c0_i32_0 : i32, i32
  }
  func.func @transform_6(%arg0: i32) -> (i32, i32) {
    %c0_i32 = arith.constant 0 : i32
    %c0_i32_0 = arith.constant 0 : i32
    %c0_i32_1 = arith.constant 0 : i32
    return %c0_i32, %c0_i32_0 : i32, i32
  }
  func.func @transform_7(%arg0: i32) -> (i32, i32, i32) {
    %c0_i32 = arith.constant 0 : i32
    %c0_i32_0 = arith.constant 0 : i32
    %c0_i32_1 = arith.constant 0 : i32
    return %arg0, %c0_i32, %c0_i32_0 : i32, i32, i32
  }
}

</mosaic_0001>

<sc_bundles>
// kernel: sparse-core-data-format-call.cloned.1.call-start
scs
called_computation_lowered:
.L_overlay_start_0:
0x0: {  	s2 =	sld [smem:$0x3FD9]  }
0x1: {  	s3 =	sld [smem:$0x3FFE];
	_ =	sdelay $0x1  }
0x2: {  	s1 =	srdreg.scid  }
0x3: {  	s0 =	sand.u32 $0x1, s1  }
0x4: {  	s18 =	sshll.u32 s0, $0xA;
	s2 =	sadd.s32 s3, s2  }
0x5: {  	s2 =	sadd.s32 s2, s18  }
0x6: {  	[smem:$0x3FC0] =	sst s2  }
0x7: {  	_ = 	snop  }
0x8: {  	s2 =	sld [smem:$0x3FC9];
	(tm) =	ssettm $0x1  }
0x9: {  	s19 =	sld [smem:$0x3FFB];
	_ =	sdelay $0x3  }
0xa: {  	_ =	strace s19  }
0xb: {  	s3 =	sld [smem:$0x3FFC];
	_ =	sdelay $0x3  }
0xc: {  	_ =	strace s3  }
0xd: {  	s3 =	sld [smem:$0x3FFD];
	_ =	sdelay $0x3  }
0xe: {  	_ =	strace s3  }
0xf: {  	_ =	strace $0x8FFFFFFF  }
0x10: {  	s20 =	sld [smem:$0x3FDB];
	_ =	sdelay $0x1  }
0x11: {  	s4 =	simm.s32 $_scs_section_size  }
0x12: {  	s5 =	simm.s32 $_size__tile_overlayer_lowered;
	s6 =	simm.s32 $_tile_overlayer_lowered  }
0x13: {  	s23 =	simm.s32 $0x1BFF;
	s22 =	sshll.u32 s6, $0x1;
	s3 =	sadd.s32 s4, s20  }
0x14: {  	s7 =	simm.s32 $0x0;
	s21 =	sshll.u32 s5, $0x1;
	s5 =	sadd.s32 s22, s3  }
0x15: {  	[timem:s7], [sflag:s23] =	dma.local [hbm:s5], s21  }
0x16: {  	_ =	swait.ge [sflag:s23], s21  }
0x17: {  	s4 =	ssub.s32 $0x0, s21;
	[sflag:s23] =	ssyncset.done $0x0  }
0x18: {  	[sflag:s23] =	ssyncadd.s32 s4;
	_ =	sdelay $0x1  }
0x19: {  	s24 =	simm.s32 $0x1B8B  }
0x1a: {  	_ =	swait.ge [sflag:s24], $0x1  }
0x1b: {  	[sflag:s24] =	ssyncset.done $0x0  }
0x1c: {  	s26 =	simm.s32 $0x1B8E;
	s25 =	sld [smem:$0x3FFE];
	[sflag:s24] =	ssyncadd.s32 $0xFFFFFFFF  }
0x1d: {  	s27 =	simm.s32 $execute0_lowered;
	[smem:$0x3FD2] =	sst s26  }
0x1e: {  	s5 =	sshll.u32 s27, $0x1;
	_ =	strace $0x80000046;
	[dreg:$0x1] =	wrdreg $0xFFFFFFFF  }
0x1f: {  	s28 =	simm.s32 $_size_execute0_lowered;
	s3 =	sadd.s32 s3, s5;
	[dreg:$0x0] =	wrdreg $0x0  }
0x20: {  	s5 =	sshll.u32 s28, $0x1;
	[dreg:$0x2] =	wrdreg s3  }
0x21: {  	[dreg:$0x3] =	wrdreg s5  }
0x22: {  	[dreg:$0x4] =	wrdreg $0xC0  }
0x23: {  	_ =	task [dreg:s7], $0x5FFFF  }
0x24: {  	[dreg:$0x1] =	wrdreg $0xFFFFFFFF  }
0x25: {  	[dreg:$0x0] =	wrdreg $0x60  }
0x26: {  	[dreg:$0x2] =	wrdreg s2  }
0x27: {  	[dreg:$0x3] =	wrdreg s25  }
0x28: {  	[dreg:$0x4] =	wrdreg $0x9  }
0x29: {  	_ =	task.clear_ibuf [dreg:s7], $0x5FFFF;
	_ =	strace $0x90000046  }
0x2a: {  	s29 =	simm.s32 $0x9;
	_ =	strace $0x80000048  }
0x2b: {  	_ =	swait.ge [sflag:s29], $0x1  }
0x2c: {  	[sflag:s29] =	ssyncadd.s32 $0xFFFFFFFF  }
0x2d: {  	_ =	strace $0x90000048  }
0x2e: {  	_ =	sfence  }
0x2f: {  	s30 =	sld [smem:$0x0];
	_ =	sdelay $0x2  }
0x30: {  	s31 =	sshll.u32 s1, $0xD;
	s1 =	sshrl.u32 s1, $0x2  }
0x31: {  	s3 =	sand.u32 $0x4000, s31;
	s1 =	sadd.s32 s1, s30  }
0x32: {  	s0 =	sor.u32 s3, s0;
	s1 =	sshll.u32 s1, $0x11  }
0x33: {  	s0 =	sor.u32 s1, s0  }
0x34: {  	s0 =	sadd.s32 $0x8F2B, s0  }
0x35: {  	[sflag:s0] =	ssyncadd.remote.s32 $0x1  }
0x36: {  	_ =	sfence.sel $0xFFFF  }
0x37: {  	[dreg:$0x0] =	wrdreg $0xFFFFFFFF;
	(pc) =	sbr.abs _section_cstart, $3  }
0x38: {  	[dreg:$0x1] =	wrdreg $0xFFFFFFFF  }
0x39: {  	_ =	task.clear_ibuf [dreg:s7], $0x2FFFF;
	_ =	strace $0x9FFFFFFF  }
0x3a: {  	(tm) =	ssettm $0x7FFFFFFF  }
0x3b: {  	_ =	shalt  }
tec
execute0_lowered:
.L_overlay_start_1:
0x0: {  	(tag) =	ssettag $0x1  }
0x1: {  	s0 =	srdreg.scid  }
0x2: {  	s1 =	sshll.u32 s0, $0x4  }
0x3: {  	s7 =	rddreg [dreg:$0x0];
	s0 =	stileid.u32;
	s1 =	sand.u32 $0x10, s1  }
0x4: {  	s5 =	rddreg [dreg:$0x1];
	s6 =	sor.u32 s0, s1  }
0x5: {  	s4 =	simm.s32 $0x1;
	s31 =	simm.s32 $0x2;
	s2 =	sshll.u32 s6, $0x7  }
0x6: {  	s13 =	simm.s32 $0x0;
	s9 =	simm.s32 $0x1C00;
	s3 =	ssub.s32 $0x1000, s2  }
0x7: {  	s10 =	simm.s32 $0x0;
	s14 =	simm.s32 $0x0;
	s30 =	sand.u32 $0xF80, s3  }
0x8: {  	s11 =	simm.s32 $0x0;
	s12 =	simm.s32 $0x0;
	p0 =	sne.s32 s30, $0x0  }
.Ltmp0:
0x9: {  	s8 =	sshrl.u32 s3, $0xC;
	s4 =	simm.s32 @!p0 $0x0;
	(pc) =	sbr.rel .LBB1_1-.Ltmp0, $4  }
0xa: {  	s1 =	rddreg [dreg:$0x2];
	_ =	strace $0x80000047;
	s4 =	sadd.s32 s4, s8  }
0xb: {  	s6 =	sshll.u32 s6, $0xB;
	s3 =	simm.s32 $0x1;
	s4 =	smul.u32 $0x37, s4  }
0xc: {  	s5 =	sadd.s32 $0x1400, s5;
	s6 =	sadd.s32 s7, s6;
	[sflag:s3] =	ssyncpa.u1 $0x0  }
0xd: {  	[sflag:s31] =	ssyncpa.u1 $0x0;
	s8 =	simm.s32 $0x80;
	s7 =	sadd.s32 $0x1, s4  }
.LBB1_4:
0xe: {  	_ =	sdelay $0x3  }
0xf: {  	[tilespmem:v0+s16+$0xFFFFFFA0 ss:$0x1] =	vst.idx.msk $0xffff, v6  }
0x10: {  	v56 =	vld.idx.msk [tilespmem:v1+s17+$0x30 ss:$0x1], $0xffff;
	[tilespmem:v0+s16+$0xFFFFFFB0 ss:$0x1] =	vst.idx.msk $0xffff, v4  }
0x11: {  	v57 =	vld.idx.msk [tilespmem:v1+s17+$0xFFFFFFC0 ss:$0x1], $0xffff;
	[tilespmem:v0+s16+$0xFFFFFFC0 ss:$0x1] =	vst.idx.msk $0xffff, v2  }
0x12: {  	v58 =	vld.idx.msk [tilespmem:v1+s17+$0xFFFFFFD0 ss:$0x1], $0xffff;
	[tilespmem:v0+s16+$0xFFFFFFD0 ss:$0x1] =	vst.idx.msk $0xffff, v3  }
0x13: {  	v59 =	vld.idx.msk [tilespmem:v1+s17+$0xFFFFFFE0 ss:$0x1], $0xffff;
	[tilespmem:v0+s16+$0xFFFFFFE0 ss:$0x1] =	vst.idx.msk $0xffff, v5  }
0x14: {  	v60 =	vld.idx.msk [tilespmem:v1+s17+$0xFFFFFFF0 ss:$0x1], $0xffff;
	[tilespmem:v0+s16+$0xFFFFFFF0 ss:$0x1] =	vst.idx.msk $0xffff, v7  }
0x15: {  	v61 =	vld.idx.msk [tilespmem:v1+s17+$0x0 ss:$0x1], $0xffff;
	s14 =	sand.u32 $0x1FFFFFF, s14;
	[tilespmem:v0+s17+$0x0 ss:$0x1] =	vst.idx.msk $0xffff, v56  }
0x16: {  	v62 =	vld.idx.msk [tilespmem:v1+s17+$0x10 ss:$0x1], $0xffff;
	s31 =	smulhi.u32 $0x4924925, s14;
	[tilespmem:v0+s17+$0xFFFFFF90 ss:$0x1] =	vst.idx.msk $0xffff, v57  }
0x17: {  	v63 =	vld.idx.msk [tilespmem:v1+s17+$0x20 ss:$0x1], $0xffff;
	[tilespmem:v0+s17+$0xFFFFFFA0 ss:$0x1] =	vst.idx.msk $0xffff, v58  }
0x18: {  	s16 =	smul.u32 $0x38, s31;
	[tilespmem:v0+s17+$0xFFFFFFB0 ss:$0x1] =	vst.idx.msk $0xffff, v59  }
0x19: {  	s13 =	smul.u32 $0x380, s13;
	[tilespmem:v0+s17+$0xFFFFFFC0 ss:$0x1] =	vst.idx.msk $0xffff, v60  }
0x1a: {  	[tilespmem:v0+s17+$0xFFFFFFD0 ss:$0x1] =	vst.idx.msk $0xffff, v61;
	s14 =	ssub.s32 s14, s16  }
0x1b: {  	s13 =	sadd.s32 s5, s13;
	[tilespmem:v0+s17+$0xFFFFFFE0 ss:$0x1] =	vst.idx.msk $0xffff, v62;
	s14 =	sshll.u32 s14, $0x4  }
0x1c: {  	[tilespmem:v0+s17+$0xFFFFFFF0 ss:$0x1] =	vst.idx.msk $0xffff, v63;
	s13 =	sadd.s32 s14, s13  }
0x1d: {  	[hbm4b:s13+s8] =	stream.strided.scatter [tilespmem:s15], [sflag:$0x2], $0x4000, s9, s8, $0x38;
	[tilespmem:$0x10000] =	vst v63  }
.LBB1_5:
0x1e: {  	s15 =	sadd.s32 $0x1, s11  }
0x1f: {  	p1 =	sgt.s32 s15, $0x36  }
0x20: {  	s15 =	simm.s32 @p1 $0x0;
	p1 =	sne.s32 s12, s7  }
.Ltmp1:
0x21: {  	p0 =	slt.u32 s12, $0x2;
	(pc) =	sbr.rel @!p1 .LBB1_6-.Ltmp1, $4  }
0x22: {  	s13 =	simm.s32 @!p0 $0x2  }
0x23: {  	s16 =	sadd.s32 $0x1, s12;
	s14 =	smov.u32 s11;
	_ =	swait.ge @!p0 [sflag:s13], $0x4000  }
0x24: {  	s10 =	sadd.s32 $0x4000, s10;
	s12 =	smov.u32 s16;
	[sflag:s13] =	ssyncset.done @!p0 $0x0  }
0x25: {  	s11 =	smov.u32 s15;
	[sflag:s13] =	ssyncadd.s32 @!p0 $0xFFFFC000;
	s13 =	smov.u32 s2  }
.LBB1_1:
0x26: {  	p0 =	sge.u32 s12, s4  }
0x27: {  	s15 =	sxor.u32 @!p0 $0xFFFFFFFF, s12  }
0x28: {  	s31 =	sadd.s32 $0xFFFFFFFF, s12;
	s16 =	sshll.u32 @!p0 s11, $0x10;
	s15 =	sshll.u32 @!p0 s15, $0xE  }
0x29: {  	s17 =	simm.s32 @!p0 $0x0;
	s16 =	sadd.s32 @!p0 s16, s6;
	s15 =	sand.u32 @!p0 $0x4000, s15  }
0x2a: {  	[tilespmem:s15], [sflag:$0x1] =	stream.linear.gather @!p0 [hbm4b:s16+s17], $0x4000, $0x38;
	[tilespmem:$0x10000] =	vst v63  }
0x2b: {  	p0 =	sge.u32 s31, s4  }
.Ltmp2:
0x2c: {  	_ = 	snop;
	(pc) =	sbr.rel @p0 .LBB1_5-.Ltmp2, $1  }
0x2d: {  	_ =	sdelay $0x3  }
0x2e: {  	s15 =	sand.u32 $0x4000, s10  }
0x2f: {  	s16 =	sor.u32 $0x40, s15  }
0x30: {  	v1 =	vmov s16;
	_ =	sdelay $0x1  }
0x31: {  	_ =	swait.ge [sflag:s3], $0x4000  }
0x32: {  	[sflag:s3] =	ssyncset.done $0x0  }
0x33: {  	[sflag:s3] =	ssyncadd.s32 $0xFFFFC000;
	s16 =	simm.s32 $0x0  }
0x34: {  	s15 =	sor.u32 $0x8070, s15;
	v7 =	vld.idx.msk [tilespmem:v1+s16+$0x30 ss:$0x1], $0xffff  }
0x35: {  	v0 =	vmov s15;
	v8 =	vld.idx.msk [tilespmem:v1+s16+$0xFFFFFFC0 ss:$0x1], $0xffff  }
0x36: {  	v6 =	vld.idx.msk [tilespmem:v1+s16+$0xFFFFFFD0 ss:$0x1], $0xffff  }
0x37: {  	v4 =	vld.idx.msk [tilespmem:v1+s16+$0xFFFFFFE0 ss:$0x1], $0xffff  }
0x38: {  	v2 =	vld.idx.msk [tilespmem:v1+s16+$0xFFFFFFF0 ss:$0x1], $0xffff  }
0x39: {  	s31 =	sshll.u32 s12, $0xE;
	v3 =	vld.idx.msk [tilespmem:v1+s16+$0x0 ss:$0x1], $0xffff  }
0x3a: {  	s15 =	sand.u32 $0x4000, s31;
	v5 =	vld.idx.msk [tilespmem:v1+s16+$0x10 ss:$0x1], $0xffff;
	[tilespmem:v0+s16+$0x0 ss:$0x1] =	vst.idx.msk $0xffff, v7  }
0x3b: {  	s17 =	simm.s32 $0x80;
	s18 =	simm.s32 $0x400;
	s15 =	sor.u32 $0x8000, s15;
	[tilespmem:v0+s16+$0xFFFFFF90 ss:$0x1] =	vst.idx.msk $0xffff, v8;
	v7 =	vld.idx.msk [tilespmem:v1+s16+$0x20 ss:$0x1], $0xffff  }
.LBB1_3:
0x3c: {  	p0 =	sne.s32 s18, $0xFE00;
	v8 =	vld.idx.msk [tilespmem:v1+s17+$0x30 ss:$0x1], $0xffff;
	[tilespmem:v0+s16+$0xFFFFFFA0 ss:$0x1] =	vst.idx.msk $0xffff, v6  }
0x3d: {  	v9 =	vld.idx.msk [tilespmem:v1+s17+$0xFFFFFFC0 ss:$0x1], $0xffff;
	[tilespmem:v0+s16+$0xFFFFFFB0 ss:$0x1] =	vst.idx.msk $0xffff, v4  }
0x3e: {  	v6 =	vld.idx.msk [tilespmem:v1+s17+$0xFFFFFFD0 ss:$0x1], $0xffff;
	[tilespmem:v0+s16+$0xFFFFFFC0 ss:$0x1] =	vst.idx.msk $0xffff, v2  }
.Ltmp3:
0x3f: {  	v4 =	vld.idx.msk [tilespmem:v1+s17+$0xFFFFFFE0 ss:$0x1], $0xffff;
	[tilespmem:v0+s16+$0xFFFFFFD0 ss:$0x1] =	vst.idx.msk $0xffff, v3;
	(pc) =	sbr.rel @p0 .LBB1_3-.Ltmp3, $4  }
0x40: {  	v2 =	vld.idx.msk [tilespmem:v1+s17+$0xFFFFFFF0 ss:$0x1], $0xffff;
	[tilespmem:v0+s16+$0xFFFFFFE0 ss:$0x1] =	vst.idx.msk $0xffff, v5  }
0x41: {  	v3 =	vld.idx.msk [tilespmem:v1+s17+$0x0 ss:$0x1], $0xffff;
	[tilespmem:v0+s16+$0xFFFFFFF0 ss:$0x1] =	vst.idx.msk $0xffff, v7;
	s16 =	smov.u32 s17  }
0x42: {  	v5 =	vld.idx.msk [tilespmem:v1+s16+$0x10 ss:$0x1], $0xffff;
	[tilespmem:v0+s16+$0x0 ss:$0x1] =	vst.idx.msk $0xffff, v8  }
0x43: {  	s17 =	sshra.s32 s18, $0x2;
	s18 =	sadd.s32 $0x200, s18;
	[tilespmem:v0+s16+$0xFFFFFF90 ss:$0x1] =	vst.idx.msk $0xffff, v9;
	v7 =	vld.idx.msk [tilespmem:v1+s16+$0x20 ss:$0x1], $0xffff  }
.Ltmp4:
0x44: {  	_ = 	snop;
	(pc) =	sbr.rel .LBB1_4-.Ltmp4, $1  }
0x45: {  	_ =	sdelay $0x3  }
.LBB1_6:
0x46: {  	_ =	sfence.sel $0x180000  }
0x47: {  	s2 =	simm.s32 $0x1;
	[bflag:$0x0] =	sbarrier.arrive $0xFFFF  }
0x48: {  	s31 =	simm.s32 $0x2;
	[sflag:s2] =	ssyncpa.u1 $0x1  }
0x49: {  	[sflag:s31] =	ssyncpa.u1 $0x1  }
0x4a: {  	p0 =	sne.s32 s0, $0x0;
	_ =	strace $0x90000047  }
0x4b: {  	s0 =	sadd.s32 @!p0 $0x100000, s1;
	[bflag:$0x2] =	sbarrier.arrive $0xFFFF  }
0x4c: {  	[sflag:s0] =	ssyncadd.tile.s32 @!p0 $0x1;
	_ =	shalt  }
.Lfunc_end1:
_tile_overlayer_lowered:
.L_overlay_start_2:
0x4d: {  	(tag) =	ssettag $0x2  }
0x4e: {  	s0 =	rddreg [dreg:$0x0];
	s2 =	stileid.u32  }
0x4f: {  	s1 =	rddreg [dreg:$0x1];
	p0 =	sne.s32 s2, $0x0  }
0x50: {  	s3 =	rddreg [dreg:$0x2];
	[bflag:$0x3] =	sbarrier.arrive $0xFFFF;
	s2 =	simm.s32 @!p0 $0x1C01  }
0x51: {  	[timem:s3], [sflag:s2] =	dma.local @!p0 [hbm:s0], s1  }
0x52: {  	s0 =	simm.s32 @!p0 $0x1  }
0x53: {  	_ =	swait.ge @!p0 [sflag:s0], s1  }
0x54: {  	s1 =	ssub.s32 @!p0 $0x0, s1;
	[sflag:s0] =	ssyncset.done @!p0 $0x0  }
0x55: {  	[sflag:s0] =	ssyncadd.s32 @!p0 s1  }
0x56: {  	[bflag:$0x3] =	sbarrier.arrive $0xFFFF  }
0x57: {  	_ =	shalt  }

</sc_bundles>
